<compile_context>
chip_gen: v7x
topology: tpu7x:2x2x1
jax: 0.10.2.dev20260603
libtpu: 0.0.44.dev20260713+nightly
codegen_flags: <defaults>
</compile_context>

<pallas_src>
import functools

import jax
import jax.numpy as jnp
from jax import lax
from jax.experimental import pallas as pl
from jax.experimental.pallas import tpu as pltpu
from jax.experimental.pallas import tpu_sc as plsc

B = 100000
V = 256
D = 128
K = 200
C = B // K
NC = 2
NS = 16
NW = NC * NS
NBUF = 4
CPW = C // NW
REM = C % NW
MAXC = CPW + 1


def kernel(state, batch_id):
    idx = batch_id.astype(jnp.int32)
    mesh = plsc.VectorSubcoreMesh(core_axis_name="c", subcore_axis_name="s")

    @functools.partial(
        pl.kernel,
        mesh=mesh,
        out_type=jax.ShapeDtypeStruct((B, D), jnp.float32),
        scratch_types=[
            pltpu.VMEM_SHARED((V, D), jnp.float32),
            pltpu.VMEM((MAXC * K,), jnp.int32),
            pltpu.VMEM((NBUF, K, D), jnp.float32),
            pltpu.SemaphoreType.DMA,
            pltpu.SemaphoreType.DMA((NBUF,)),
        ],
    )
    def run(state_hbm, idx_hbm, out_hbm, table_sh, idx_v, rows_v, gsem, osem):
        cid = lax.axis_index("c")
        sid = lax.axis_index("s")
        wid = sid * NC + cid

        @pl.when(sid == 0)
        def _():
            pltpu.sync_copy(state_hbm, table_sh)

        start = wid * CPW + jnp.minimum(wid, REM)
        n = CPW + jnp.where(wid < REM, 1, 0)
        pltpu.sync_copy(
            idx_hbm.at[pl.ds(start * K, CPW * K)], idx_v.at[pl.ds(0, CPW * K)]
        )

        @pl.when(wid < REM)
        def _():
            pltpu.sync_copy(
                idx_hbm.at[pl.ds((start + CPW) * K, K)],
                idx_v.at[pl.ds(CPW * K, K)],
            )

        plsc.subcore_barrier()

        def body(i, carry):
            b = i % NBUF

            @pl.when(i >= NBUF)
            def _():
                pltpu.make_async_copy(
                    rows_v.at[b], out_hbm.at[pl.ds(0, K)], osem.at[b]
                ).wait()

            pltpu.async_copy(
                table_sh.at[idx_v.at[pl.ds(i * K, K)]], rows_v.at[b], gsem
            ).wait()
            pltpu.async_copy(
                rows_v.at[b], out_hbm.at[pl.ds((start + i) * K, K)], osem.at[b]
            )
            return carry

        lax.fori_loop(0, n, body, 0)

        for b in range(NBUF):
            pltpu.make_async_copy(
                rows_v.at[b], out_hbm.at[pl.ds(0, K)], osem.at[b]
            ).wait()

    return run(state, idx)

# --- scband reference (transcript-rebuilt; emitter-appended) ---
"""Pipeline reference for scband-gather-state-58256936403578 (READ-ONLY COPY).

The authoritative reference and input builder live on the scoring server;
editing this copy changes nothing except your own understanding.
"""

import jax, jax.numpy as jnp
import numpy as np


def setup_inputs(seed: int = 0) -> dict:
    key = jax.random.key(seed)
    k1, k2 = jax.random.split(key)
    state = jax.random.normal(k1, (256, 128), dtype=jnp.float32)
    batch_id = jnp.sort(jax.random.randint(k2, (100000,), 0, 256, dtype=jnp.int64))
    return {"state": state, "batch_id": batch_id}


def reference(state, batch_id):
    # GatherState.call: out = ops.take(env, batch_id, axis=0)
    out = jnp.take(state, batch_id, axis=0)
    return out

if __name__ == "__main__":
    import jax
    _d = setup_inputs()
    print(jax.jit(kernel)(*tuple(_d.values())))

</pallas_src>

<mosaic_0001>
#map = affine_map<(d0, d1) -> (0, 0)>
#map1 = affine_map<(d0, d1) -> (0)>
module attributes {stable_mosaic.version = 14 : i64} {
  func.func @run(%arg0: i32, %arg1: i32, %arg2: memref<256x128xf32, #tpu.memory_space<hbm>>, %arg3: memref<100000xi32, #tpu.memory_space<hbm>>, %arg4: memref<100000x128xf32, #tpu.memory_space<hbm>>, %arg5: memref<256x128xf32, #tpu.memory_space<vmem_shared>>, %arg6: memref<3200xi32, #tpu.memory_space<vmem>>, %arg7: memref<4x200x128xf32, #tpu.memory_space<vmem>>, %arg8: memref<!tpu.dma_semaphore, #tpu.memory_space<semaphore_mem>>, %arg9: memref<4x!tpu.dma_semaphore, #tpu.memory_space<semaphore_mem>>) attributes {dimension_semantics = [#tpu.dimension_semantics<core_parallel>, #tpu.dimension_semantics<subcore_parallel>], iteration_bounds = array<i64: 2, 16>, scalar_prefetch = 0 : i64, scratch_operands = 5 : i64, tpu.core_type = #tpu.core_type<sc_vector_subcore>, window_params = [{transform_indices = #map}, {transform_indices = #map1}, {transform_indices = #map}]} {
    %mul3A = arith.constant 2 : i32
    %mul3A_0 = arith.muli %arg1, %mul3A : i32
    %add3A = arith.addi %mul3A_0, %arg0 : i32
    %eq3A = arith.constant 0 : i32
    %eq3A_1 = arith.cmpi eq, %arg1, %eq3A : i32
    %convert_element_type3A = arith.extui %eq3A_1 : i1 to i32
    %cond3A = arith.constant 0 : i32
    %cond3A_2 = arith.cmpi ne, %convert_element_type3A, %cond3A : i32
    scf.if %cond3A_2 {
      "tpu.region"() ({
        %run_scoped3A = tpu.sem_alloc : memref<!tpu.dma_semaphore, #tpu.memory_space<semaphore_mem>>
        tpu.enqueue_dma source(%arg2 : memref<256x128xf32, #tpu.memory_space<hbm>>) target(%arg5 : memref<256x128xf32, #tpu.memory_space<vmem_shared>>) target_semaphore(%run_scoped3A : memref<!tpu.dma_semaphore, #tpu.memory_space<semaphore_mem>>)
        tpu.wait_dma2 semaphore(%run_scoped3A : memref<!tpu.dma_semaphore, #tpu.memory_space<semaphore_mem>>) src(%arg2 : memref<256x128xf32, #tpu.memory_space<hbm>>) dst(%arg5 : memref<256x128xf32, #tpu.memory_space<vmem_shared>>)
        tpu.yield
      }) : () -> ()
    } else {
    }
    %mul3A_3 = arith.constant 15 : i32
    %mul3A_4 = arith.muli %add3A, %mul3A_3 : i32
    %min3A = arith.constant 20 : i32
    %min3A_5 = arith.minsi %add3A, %min3A : i32
    %add3A_6 = arith.addi %mul3A_4, %min3A_5 : i32
    %lt3A = arith.constant 20 : i32
    %lt3A_7 = arith.cmpi slt, %add3A, %lt3A : i32
    %jit3A = arith.constant 1 : i32
    %jit3A_8 = arith.constant 0 : i32
    %select_n3A = arith.select %lt3A_7, %jit3A, %jit3A_8 : i32
    %add3A_9 = arith.constant 15 : i32
    %add3A_10 = arith.addi %add3A_9, %select_n3A : i32
    %mul3A_11 = arith.constant 200 : i32
    %mul3A_12 = arith.muli %add3A_6, %mul3A_11 : i32
    "tpu.region"() ({
      %run_scoped3A = tpu.sem_alloc : memref<!tpu.dma_semaphore, #tpu.memory_space<semaphore_mem>>
      %dma_start3A = arith.constant 0 : i32
      %dma_start3A_98 = tpu.memref_slice %arg6[%dma_start3A] : memref<3200xi32, #tpu.memory_space<vmem>> -> memref<3000xi32, #tpu.memory_space<vmem>>
      %dma_start3A_99 = tpu.memref_slice %arg3[%mul3A_12] : memref<100000xi32, #tpu.memory_space<hbm>> -> memref<3000xi32, #tpu.memory_space<hbm>>
      %dma_start3A_100 = arith.constant 0 : i32
      %dma_start3A_101 = tpu.memref_slice %arg6[%dma_start3A_100] : memref<3200xi32, #tpu.memory_space<vmem>> -> memref<3000xi32, #tpu.memory_space<vmem>>
      %dma_start3A_102 = tpu.memref_slice %arg3[%mul3A_12] : memref<100000xi32, #tpu.memory_space<hbm>> -> memref<3000xi32, #tpu.memory_space<hbm>>
      tpu.enqueue_dma source(%dma_start3A_102 : memref<3000xi32, #tpu.memory_space<hbm>>) target(%dma_start3A_101 : memref<3000xi32, #tpu.memory_space<vmem>>) target_semaphore(%run_scoped3A : memref<!tpu.dma_semaphore, #tpu.memory_space<semaphore_mem>>)
      %dma_wait3A_103 = arith.constant 0 : i32
      %dma_wait3A_104 = tpu.memref_slice %arg6[%dma_wait3A_103] : memref<3200xi32, #tpu.memory_space<vmem>> -> memref<3000xi32, #tpu.memory_space<vmem>>
      %dma_wait3A_105 = tpu.memref_slice %arg3[%mul3A_12] : memref<100000xi32, #tpu.memory_space<hbm>> -> memref<3000xi32, #tpu.memory_space<hbm>>
      %dma_wait3A_106 = arith.constant 0 : i32
      %dma_wait3A_107 = tpu.memref_slice %arg6[%dma_wait3A_106] : memref<3200xi32, #tpu.memory_space<vmem>> -> memref<3000xi32, #tpu.memory_space<vmem>>
      %dma_wait3A_108 = tpu.memref_slice %arg3[%mul3A_12] : memref<100000xi32, #tpu.memory_space<hbm>> -> memref<3000xi32, #tpu.memory_space<hbm>>
      tpu.wait_dma2 semaphore(%run_scoped3A : memref<!tpu.dma_semaphore, #tpu.memory_space<semaphore_mem>>) src(%dma_wait3A_108 : memref<3000xi32, #tpu.memory_space<hbm>>) dst(%dma_wait3A_107 : memref<3000xi32, #tpu.memory_space<vmem>>)
      tpu.yield
    }) : () -> ()
    %lt3A_13 = arith.constant 20 : i32
    %lt3A_14 = arith.cmpi slt, %add3A, %lt3A_13 : i32
    %convert_element_type3A_15 = arith.extui %lt3A_14 : i1 to i32
    %cond3A_16 = arith.constant 0 : i32
    %cond3A_17 = arith.cmpi ne, %convert_element_type3A_15, %cond3A_16 : i32
    scf.if %cond3A_17 {
      %add3A_98 = arith.constant 15 : i32
      %add3A_99 = arith.addi %add3A_6, %add3A_98 : i32
      %mul3A_100 = arith.constant 200 : i32
      %mul3A_101 = arith.muli %add3A_99, %mul3A_100 : i32
      "tpu.region"() ({
        %run_scoped3A = tpu.sem_alloc : memref<!tpu.dma_semaphore, #tpu.memory_space<semaphore_mem>>
        %dma_start3A = arith.constant 3000 : i32
        %dma_start3A_102 = tpu.memref_slice %arg6[%dma_start3A] : memref<3200xi32, #tpu.memory_space<vmem>> -> memref<200xi32, #tpu.memory_space<vmem>>
        %dma_start3A_103 = tpu.memref_slice %arg3[%mul3A_101] : memref<100000xi32, #tpu.memory_space<hbm>> -> memref<200xi32, #tpu.memory_space<hbm>>
        %dma_start3A_104 = arith.constant 3000 : i32
        %dma_start3A_105 = tpu.memref_slice %arg6[%dma_start3A_104] : memref<3200xi32, #tpu.memory_space<vmem>> -> memref<200xi32, #tpu.memory_space<vmem>>
        %dma_start3A_106 = tpu.memref_slice %arg3[%mul3A_101] : memref<100000xi32, #tpu.memory_space<hbm>> -> memref<200xi32, #tpu.memory_space<hbm>>
        tpu.enqueue_dma source(%dma_start3A_106 : memref<200xi32, #tpu.memory_space<hbm>>) target(%dma_start3A_105 : memref<200xi32, #tpu.memory_space<vmem>>) target_semaphore(%run_scoped3A : memref<!tpu.dma_semaphore, #tpu.memory_space<semaphore_mem>>)
        %dma_wait3A_107 = arith.constant 3000 : i32
        %dma_wait3A_108 = tpu.memref_slice %arg6[%dma_wait3A_107] : memref<3200xi32, #tpu.memory_space<vmem>> -> memref<200xi32, #tpu.memory_space<vmem>>
        %dma_wait3A_109 = tpu.memref_slice %arg3[%mul3A_101] : memref<100000xi32, #tpu.memory_space<hbm>> -> memref<200xi32, #tpu.memory_space<hbm>>
        %dma_wait3A_110 = arith.constant 3000 : i32
        %dma_wait3A_111 = tpu.memref_slice %arg6[%dma_wait3A_110] : memref<3200xi32, #tpu.memory_space<vmem>> -> memref<200xi32, #tpu.memory_space<vmem>>
        %dma_wait3A_112 = tpu.memref_slice %arg3[%mul3A_101] : memref<100000xi32, #tpu.memory_space<hbm>> -> memref<200xi32, #tpu.memory_space<hbm>>
        tpu.wait_dma2 semaphore(%run_scoped3A : memref<!tpu.dma_semaphore, #tpu.memory_space<semaphore_mem>>) src(%dma_wait3A_112 : memref<200xi32, #tpu.memory_space<hbm>>) dst(%dma_wait3A_111 : memref<200xi32, #tpu.memory_space<vmem>>)
        tpu.yield
      }) : () -> ()
    } else {
    }
    %barrier3A = arith.constant 0 : index
    tpu.barrier barrier_id(%barrier3A)
    %while3A = arith.constant 0 : i32
    %while3A_18 = arith.constant 0 : i32
    %while3A_19 = arith.subi %add3A_10, %while3A_18 : i32
    %while3A_20 = arith.addi %while3A_18, %while3A_19 : i32
    %while3A_21 = arith.constant 1 : i32
    %while3A_22 = arith.divsi %while3A_19, %while3A_21 : i32
    %while3A_23 = arith.muli %while3A_22, %while3A_21 : i32
    %while3A_24 = arith.addi %while3A_18, %while3A_23 : i32
    %while3A_25 = arith.constant 1 : i32
    scf.for %while3A_98 = %while3A_18 to %while3A_24 step %while3A_25  : i32 {
      %jit3A_99 = arith.constant 4 : i32
      %eq3A_100 = arith.constant 0 : i32
      %eq3A_101 = arith.cmpi eq, %jit3A_99, %eq3A_100 : i32
      %jit3A_102 = arith.constant 1 : i32
      %select_n3A_103 = arith.select %eq3A_101, %jit3A_102, %jit3A_99 : i32
      %rem3A = arith.remsi %while3A_98, %select_n3A_103 : i32
      %ne3A = arith.constant 0 : i32
      %ne3A_104 = arith.cmpi ne, %rem3A, %ne3A : i32
      %lt3A_105 = arith.constant 0 : i32
      %lt3A_106 = arith.cmpi slt, %rem3A, %lt3A_105 : i32
      %lt3A_107 = arith.constant 0 : i32
      %lt3A_108 = arith.cmpi slt, %select_n3A_103, %lt3A_107 : i32
      %ne3A_109 = arith.xori %lt3A_106, %lt3A_108 : i1
      %and3A = arith.andi %ne3A_109, %ne3A_104 : i1
      %add3A_110 = arith.addi %rem3A, %select_n3A_103 : i32
      %select_n3A_111 = arith.select %and3A, %add3A_110, %rem3A : i32
      %ge3A = arith.constant 4 : i32
      %ge3A_112 = arith.cmpi sge, %while3A_98, %ge3A : i32
      %convert_element_type3A_113 = arith.extui %ge3A_112 : i1 to i32
      %cond3A_114 = arith.constant 0 : i32
      %cond3A_115 = arith.cmpi ne, %convert_element_type3A_113, %cond3A_114 : i32
      scf.if %cond3A_115 {
        %dma_wait3A_150 = arith.constant 0 : i32
        %dma_wait3A_151 = arith.constant 0 : i32
        %dma_wait3A_152 = tpu.memref_slice %arg7[%select_n3A_111, %dma_wait3A_150, %dma_wait3A_151] : memref<4x200x128xf32, #tpu.memory_space<vmem>> -> memref<1x200x128xf32, #tpu.memory_space<vmem>>
        %dma_wait3A_153 = tpu.memref_squeeze %dma_wait3A_152 : memref<1x200x128xf32, #tpu.memory_space<vmem>> -> memref<200x128xf32, #tpu.memory_space<vmem>>
        %dma_wait3A_154 = arith.constant 0 : i32
        %dma_wait3A_155 = arith.constant 0 : i32
        %dma_wait3A_156 = tpu.memref_slice %arg4[%dma_wait3A_154, %dma_wait3A_155] : memref<100000x128xf32, #tpu.memory_space<hbm>> -> memref<200x128xf32, #tpu.memory_space<hbm>>
        %dma_wait3A_157 = tpu.memref_slice %arg9[%select_n3A_111] : memref<4x!tpu.dma_semaphore, #tpu.memory_space<semaphore_mem>> -> memref<1x!tpu.dma_semaphore, #tpu.memory_space<semaphore_mem>>
        %dma_wait3A_158 = tpu.memref_squeeze %dma_wait3A_157 : memref<1x!tpu.dma_semaphore, #tpu.memory_space<semaphore_mem>> -> memref<!tpu.dma_semaphore, #tpu.memory_space<semaphore_mem>>
        %dma_wait3A_159 = arith.constant 0 : i32
        %dma_wait3A_160 = arith.constant 0 : i32
        %dma_wait3A_161 = tpu.memref_slice %arg4[%dma_wait3A_159, %dma_wait3A_160] : memref<100000x128xf32, #tpu.memory_space<hbm>> -> memref<200x128xf32, #tpu.memory_space<hbm>>
        %dma_wait3A_162 = arith.constant 0 : i32
        %dma_wait3A_163 = arith.constant 0 : i32
        %dma_wait3A_164 = tpu.memref_slice %arg7[%select_n3A_111, %dma_wait3A_162, %dma_wait3A_163] : memref<4x200x128xf32, #tpu.memory_space<vmem>> -> memref<1x200x128xf32, #tpu.memory_space<vmem>>
        %dma_wait3A_165 = tpu.memref_squeeze %dma_wait3A_164 : memref<1x200x128xf32, #tpu.memory_space<vmem>> -> memref<200x128xf32, #tpu.memory_space<vmem>>
        tpu.wait_dma2 semaphore(%dma_wait3A_158 : memref<!tpu.dma_semaphore, #tpu.memory_space<semaphore_mem>>) src(%dma_wait3A_165 : memref<200x128xf32, #tpu.memory_space<vmem>>) dst(%dma_wait3A_161 : memref<200x128xf32, #tpu.memory_space<hbm>>)
      } else {
      }
      %mul3A_116 = arith.constant 200 : i32
      %mul3A_117 = arith.muli %while3A_98, %mul3A_116 : i32
      %dma_start3A = arith.constant 0 : i32
      %dma_start3A_118 = arith.constant 0 : i32
      %dma_start3A_119 = tpu.memref_slice %arg7[%select_n3A_111, %dma_start3A, %dma_start3A_118] : memref<4x200x128xf32, #tpu.memory_space<vmem>> -> memref<1x200x128xf32, #tpu.memory_space<vmem>>
      %dma_start3A_120 = tpu.memref_squeeze %dma_start3A_119 : memref<1x200x128xf32, #tpu.memory_space<vmem>> -> memref<200x128xf32, #tpu.memory_space<vmem>>
      %dma_start3A_121 = tpu.memref_slice %arg6[%mul3A_117] : memref<3200xi32, #tpu.memory_space<vmem>> -> memref<200xi32, #tpu.memory_space<vmem>>
      %dma_start3A_122 = arith.constant 0 : i32
      %dma_start3A_123 = arith.constant 0 : i32
      %dma_start3A_124 = tpu.memref_slice %arg5[%dma_start3A_122, %dma_start3A_123] : memref<256x128xf32, #tpu.memory_space<vmem_shared>> -> memref<256x128xf32, #tpu.memory_space<vmem_shared>>
      tpu.enqueue_indirect_dma source(%dma_start3A_124 : memref<256x128xf32, #tpu.memory_space<vmem_shared>>) target(%dma_start3A_120 : memref<200x128xf32, #tpu.memory_space<vmem>>) offsets(%dma_start3A_121 : memref<200xi32, #tpu.memory_space<vmem>>) semaphore(%arg8 : memref<!tpu.dma_semaphore, #tpu.memory_space<semaphore_mem>>)
      %dma_wait3A_125 = arith.constant 0 : i32
      %dma_wait3A_126 = arith.constant 0 : i32
      %dma_wait3A_127 = tpu.memref_slice %arg7[%select_n3A_111, %dma_wait3A_125, %dma_wait3A_126] : memref<4x200x128xf32, #tpu.memory_space<vmem>> -> memref<1x200x128xf32, #tpu.memory_space<vmem>>
      %dma_wait3A_128 = tpu.memref_squeeze %dma_wait3A_127 : memref<1x200x128xf32, #tpu.memory_space<vmem>> -> memref<200x128xf32, #tpu.memory_space<vmem>>
      %dma_wait3A_129 = tpu.memref_slice %arg6[%mul3A_117] : memref<3200xi32, #tpu.memory_space<vmem>> -> memref<200xi32, #tpu.memory_space<vmem>>
      %dma_wait3A_130 = arith.constant 0 : i32
      %dma_wait3A_131 = arith.constant 0 : i32
      %dma_wait3A_132 = tpu.memref_slice %arg5[%dma_wait3A_130, %dma_wait3A_131] : memref<256x128xf32, #tpu.memory_space<vmem_shared>> -> memref<256x128xf32, #tpu.memory_space<vmem_shared>>
      tpu.wait_indirect_dma semaphore(%arg8 : memref<!tpu.dma_semaphore, #tpu.memory_space<semaphore_mem>>) src(%dma_wait3A_132 : memref<256x128xf32, #tpu.memory_space<vmem_shared>>) dst(%dma_wait3A_128 : memref<200x128xf32, #tpu.memory_space<vmem>>)
      %add3A_133 = arith.addi %add3A_6, %while3A_98 : i32
      %mul3A_134 = arith.constant 200 : i32
      %mul3A_135 = arith.muli %add3A_133, %mul3A_134 : i32
      %dma_start3A_136 = arith.constant 0 : i32
      %dma_start3A_137 = arith.constant 0 : i32
      %dma_start3A_138 = tpu.memref_slice %arg7[%select_n3A_111, %dma_start3A_136, %dma_start3A_137] : memref<4x200x128xf32, #tpu.memory_space<vmem>> -> memref<1x200x128xf32, #tpu.memory_space<vmem>>
      %dma_start3A_139 = tpu.memref_squeeze %dma_start3A_138 : memref<1x200x128xf32, #tpu.memory_space<vmem>> -> memref<200x128xf32, #tpu.memory_space<vmem>>
      %dma_start3A_140 = arith.constant 0 : i32
      %dma_start3A_141 = tpu.memref_slice %arg4[%mul3A_135, %dma_start3A_140] : memref<100000x128xf32, #tpu.memory_space<hbm>> -> memref<200x128xf32, #tpu.memory_space<hbm>>
      %dma_start3A_142 = tpu.memref_slice %arg9[%select_n3A_111] : memref<4x!tpu.dma_semaphore, #tpu.memory_space<semaphore_mem>> -> memref<1x!tpu.dma_semaphore, #tpu.memory_space<semaphore_mem>>
      %dma_start3A_143 = tpu.memref_squeeze %dma_start3A_142 : memref<1x!tpu.dma_semaphore, #tpu.memory_space<semaphore_mem>> -> memref<!tpu.dma_semaphore, #tpu.memory_space<semaphore_mem>>
      %dma_start3A_144 = arith.constant 0 : i32
      %dma_start3A_145 = tpu.memref_slice %arg4[%mul3A_135, %dma_start3A_144] : memref<100000x128xf32, #tpu.memory_space<hbm>> -> memref<200x128xf32, #tpu.memory_space<hbm>>
      %dma_start3A_146 = arith.constant 0 : i32
      %dma_start3A_147 = arith.constant 0 : i32
      %dma_start3A_148 = tpu.memref_slice %arg7[%select_n3A_111, %dma_start3A_146, %dma_start3A_147] : memref<4x200x128xf32, #tpu.memory_space<vmem>> -> memref<1x200x128xf32, #tpu.memory_space<vmem>>
      %dma_start3A_149 = tpu.memref_squeeze %dma_start3A_148 : memref<1x200x128xf32, #tpu.memory_space<vmem>> -> memref<200x128xf32, #tpu.memory_space<vmem>>
      tpu.enqueue_dma source(%dma_start3A_149 : memref<200x128xf32, #tpu.memory_space<vmem>>) target(%dma_start3A_145 : memref<200x128xf32, #tpu.memory_space<hbm>>) target_semaphore(%dma_start3A_143 : memref<!tpu.dma_semaphore, #tpu.memory_space<semaphore_mem>>)
    }
    %while3A_26 = arith.constant 1 : i32
    scf.for %while3A_98 = %while3A_24 to %while3A_20 step %while3A_26  : i32 {
      %jit3A_99 = arith.constant 4 : i32
      %eq3A_100 = arith.constant 0 : i32
      %eq3A_101 = arith.cmpi eq, %jit3A_99, %eq3A_100 : i32
      %jit3A_102 = arith.constant 1 : i32
      %select_n3A_103 = arith.select %eq3A_101, %jit3A_102, %jit3A_99 : i32
      %rem3A = arith.remsi %while3A_98, %select_n3A_103 : i32
      %ne3A = arith.constant 0 : i32
      %ne3A_104 = arith.cmpi ne, %rem3A, %ne3A : i32
      %lt3A_105 = arith.constant 0 : i32
      %lt3A_106 = arith.cmpi slt, %rem3A, %lt3A_105 : i32
      %lt3A_107 = arith.constant 0 : i32
      %lt3A_108 = arith.cmpi slt, %select_n3A_103, %lt3A_107 : i32
      %ne3A_109 = arith.xori %lt3A_106, %lt3A_108 : i1
      %and3A = arith.andi %ne3A_109, %ne3A_104 : i1
      %add3A_110 = arith.addi %rem3A, %select_n3A_103 : i32
      %select_n3A_111 = arith.select %and3A, %add3A_110, %rem3A : i32
      %ge3A = arith.constant 4 : i32
      %ge3A_112 = arith.cmpi sge, %while3A_98, %ge3A : i32
      %convert_element_type3A_113 = arith.extui %ge3A_112 : i1 to i32
      %cond3A_114 = arith.constant 0 : i32
      %cond3A_115 = arith.cmpi ne, %convert_element_type3A_113, %cond3A_114 : i32
      scf.if %cond3A_115 {
        %dma_wait3A_150 = arith.constant 0 : i32
        %dma_wait3A_151 = arith.constant 0 : i32
        %dma_wait3A_152 = tpu.memref_slice %arg7[%select_n3A_111, %dma_wait3A_150, %dma_wait3A_151] : memref<4x200x128xf32, #tpu.memory_space<vmem>> -> memref<1x200x128xf32, #tpu.memory_space<vmem>>
        %dma_wait3A_153 = tpu.memref_squeeze %dma_wait3A_152 : memref<1x200x128xf32, #tpu.memory_space<vmem>> -> memref<200x128xf32, #tpu.memory_space<vmem>>
        %dma_wait3A_154 = arith.constant 0 : i32
        %dma_wait3A_155 = arith.constant 0 : i32
        %dma_wait3A_156 = tpu.memref_slice %arg4[%dma_wait3A_154, %dma_wait3A_155] : memref<100000x128xf32, #tpu.memory_space<hbm>> -> memref<200x128xf32, #tpu.memory_space<hbm>>
        %dma_wait3A_157 = tpu.memref_slice %arg9[%select_n3A_111] : memref<4x!tpu.dma_semaphore, #tpu.memory_space<semaphore_mem>> -> memref<1x!tpu.dma_semaphore, #tpu.memory_space<semaphore_mem>>
        %dma_wait3A_158 = tpu.memref_squeeze %dma_wait3A_157 : memref<1x!tpu.dma_semaphore, #tpu.memory_space<semaphore_mem>> -> memref<!tpu.dma_semaphore, #tpu.memory_space<semaphore_mem>>
        %dma_wait3A_159 = arith.constant 0 : i32
        %dma_wait3A_160 = arith.constant 0 : i32
        %dma_wait3A_161 = tpu.memref_slice %arg4[%dma_wait3A_159, %dma_wait3A_160] : memref<100000x128xf32, #tpu.memory_space<hbm>> -> memref<200x128xf32, #tpu.memory_space<hbm>>
        %dma_wait3A_162 = arith.constant 0 : i32
        %dma_wait3A_163 = arith.constant 0 : i32
        %dma_wait3A_164 = tpu.memref_slice %arg7[%select_n3A_111, %dma_wait3A_162, %dma_wait3A_163] : memref<4x200x128xf32, #tpu.memory_space<vmem>> -> memref<1x200x128xf32, #tpu.memory_space<vmem>>
        %dma_wait3A_165 = tpu.memref_squeeze %dma_wait3A_164 : memref<1x200x128xf32, #tpu.memory_space<vmem>> -> memref<200x128xf32, #tpu.memory_space<vmem>>
        tpu.wait_dma2 semaphore(%dma_wait3A_158 : memref<!tpu.dma_semaphore, #tpu.memory_space<semaphore_mem>>) src(%dma_wait3A_165 : memref<200x128xf32, #tpu.memory_space<vmem>>) dst(%dma_wait3A_161 : memref<200x128xf32, #tpu.memory_space<hbm>>)
      } else {
      }
      %mul3A_116 = arith.constant 200 : i32
      %mul3A_117 = arith.muli %while3A_98, %mul3A_116 : i32
      %dma_start3A = arith.constant 0 : i32
      %dma_start3A_118 = arith.constant 0 : i32
      %dma_start3A_119 = tpu.memref_slice %arg7[%select_n3A_111, %dma_start3A, %dma_start3A_118] : memref<4x200x128xf32, #tpu.memory_space<vmem>> -> memref<1x200x128xf32, #tpu.memory_space<vmem>>
      %dma_start3A_120 = tpu.memref_squeeze %dma_start3A_119 : memref<1x200x128xf32, #tpu.memory_space<vmem>> -> memref<200x128xf32, #tpu.memory_space<vmem>>
      %dma_start3A_121 = tpu.memref_slice %arg6[%mul3A_117] : memref<3200xi32, #tpu.memory_space<vmem>> -> memref<200xi32, #tpu.memory_space<vmem>>
      %dma_start3A_122 = arith.constant 0 : i32
      %dma_start3A_123 = arith.constant 0 : i32
      %dma_start3A_124 = tpu.memref_slice %arg5[%dma_start3A_122, %dma_start3A_123] : memref<256x128xf32, #tpu.memory_space<vmem_shared>> -> memref<256x128xf32, #tpu.memory_space<vmem_shared>>
      tpu.enqueue_indirect_dma source(%dma_start3A_124 : memref<256x128xf32, #tpu.memory_space<vmem_shared>>) target(%dma_start3A_120 : memref<200x128xf32, #tpu.memory_space<vmem>>) offsets(%dma_start3A_121 : memref<200xi32, #tpu.memory_space<vmem>>) semaphore(%arg8 : memref<!tpu.dma_semaphore, #tpu.memory_space<semaphore_mem>>)
      %dma_wait3A_125 = arith.constant 0 : i32
      %dma_wait3A_126 = arith.constant 0 : i32
      %dma_wait3A_127 = tpu.memref_slice %arg7[%select_n3A_111, %dma_wait3A_125, %dma_wait3A_126] : memref<4x200x128xf32, #tpu.memory_space<vmem>> -> memref<1x200x128xf32, #tpu.memory_space<vmem>>
      %dma_wait3A_128 = tpu.memref_squeeze %dma_wait3A_127 : memref<1x200x128xf32, #tpu.memory_space<vmem>> -> memref<200x128xf32, #tpu.memory_space<vmem>>
      %dma_wait3A_129 = tpu.memref_slice %arg6[%mul3A_117] : memref<3200xi32, #tpu.memory_space<vmem>> -> memref<200xi32, #tpu.memory_space<vmem>>
      %dma_wait3A_130 = arith.constant 0 : i32
      %dma_wait3A_131 = arith.constant 0 : i32
      %dma_wait3A_132 = tpu.memref_slice %arg5[%dma_wait3A_130, %dma_wait3A_131] : memref<256x128xf32, #tpu.memory_space<vmem_shared>> -> memref<256x128xf32, #tpu.memory_space<vmem_shared>>
      tpu.wait_indirect_dma semaphore(%arg8 : memref<!tpu.dma_semaphore, #tpu.memory_space<semaphore_mem>>) src(%dma_wait3A_132 : memref<256x128xf32, #tpu.memory_space<vmem_shared>>) dst(%dma_wait3A_128 : memref<200x128xf32, #tpu.memory_space<vmem>>)
      %add3A_133 = arith.addi %add3A_6, %while3A_98 : i32
      %mul3A_134 = arith.constant 200 : i32
      %mul3A_135 = arith.muli %add3A_133, %mul3A_134 : i32
      %dma_start3A_136 = arith.constant 0 : i32
      %dma_start3A_137 = arith.constant 0 : i32
      %dma_start3A_138 = tpu.memref_slice %arg7[%select_n3A_111, %dma_start3A_136, %dma_start3A_137] : memref<4x200x128xf32, #tpu.memory_space<vmem>> -> memref<1x200x128xf32, #tpu.memory_space<vmem>>
      %dma_start3A_139 = tpu.memref_squeeze %dma_start3A_138 : memref<1x200x128xf32, #tpu.memory_space<vmem>> -> memref<200x128xf32, #tpu.memory_space<vmem>>
      %dma_start3A_140 = arith.constant 0 : i32
      %dma_start3A_141 = tpu.memref_slice %arg4[%mul3A_135, %dma_start3A_140] : memref<100000x128xf32, #tpu.memory_space<hbm>> -> memref<200x128xf32, #tpu.memory_space<hbm>>
      %dma_start3A_142 = tpu.memref_slice %arg9[%select_n3A_111] : memref<4x!tpu.dma_semaphore, #tpu.memory_space<semaphore_mem>> -> memref<1x!tpu.dma_semaphore, #tpu.memory_space<semaphore_mem>>
      %dma_start3A_143 = tpu.memref_squeeze %dma_start3A_142 : memref<1x!tpu.dma_semaphore, #tpu.memory_space<semaphore_mem>> -> memref<!tpu.dma_semaphore, #tpu.memory_space<semaphore_mem>>
      %dma_start3A_144 = arith.constant 0 : i32
      %dma_start3A_145 = tpu.memref_slice %arg4[%mul3A_135, %dma_start3A_144] : memref<100000x128xf32, #tpu.memory_space<hbm>> -> memref<200x128xf32, #tpu.memory_space<hbm>>
      %dma_start3A_146 = arith.constant 0 : i32
      %dma_start3A_147 = arith.constant 0 : i32
      %dma_start3A_148 = tpu.memref_slice %arg7[%select_n3A_111, %dma_start3A_146, %dma_start3A_147] : memref<4x200x128xf32, #tpu.memory_space<vmem>> -> memref<1x200x128xf32, #tpu.memory_space<vmem>>
      %dma_start3A_149 = tpu.memref_squeeze %dma_start3A_148 : memref<1x200x128xf32, #tpu.memory_space<vmem>> -> memref<200x128xf32, #tpu.memory_space<vmem>>
      tpu.enqueue_dma source(%dma_start3A_149 : memref<200x128xf32, #tpu.memory_space<vmem>>) target(%dma_start3A_145 : memref<200x128xf32, #tpu.memory_space<hbm>>) target_semaphore(%dma_start3A_143 : memref<!tpu.dma_semaphore, #tpu.memory_space<semaphore_mem>>)
    }
    %dma_wait3A = arith.constant 0 : i32
    %dma_wait3A_27 = arith.constant 0 : i32
    %dma_wait3A_28 = arith.constant 0 : i32
    %dma_wait3A_29 = arith.constant 0 : i32
    %dma_wait3A_30 = tpu.memref_slice %arg7[%dma_wait3A, %dma_wait3A_28, %dma_wait3A_29] : memref<4x200x128xf32, #tpu.memory_space<vmem>> -> memref<1x200x128xf32, #tpu.memory_space<vmem>>
    %dma_wait3A_31 = tpu.memref_squeeze %dma_wait3A_30 : memref<1x200x128xf32, #tpu.memory_space<vmem>> -> memref<200x128xf32, #tpu.memory_space<vmem>>
    %dma_wait3A_32 = arith.constant 0 : i32
    %dma_wait3A_33 = arith.constant 0 : i32
    %dma_wait3A_34 = tpu.memref_slice %arg4[%dma_wait3A_32, %dma_wait3A_33] : memref<100000x128xf32, #tpu.memory_space<hbm>> -> memref<200x128xf32, #tpu.memory_space<hbm>>
    %dma_wait3A_35 = tpu.memref_slice %arg9[%dma_wait3A_27] : memref<4x!tpu.dma_semaphore, #tpu.memory_space<semaphore_mem>> -> memref<1x!tpu.dma_semaphore, #tpu.memory_space<semaphore_mem>>
    %dma_wait3A_36 = tpu.memref_squeeze %dma_wait3A_35 : memref<1x!tpu.dma_semaphore, #tpu.memory_space<semaphore_mem>> -> memref<!tpu.dma_semaphore, #tpu.memory_space<semaphore_mem>>
    %dma_wait3A_37 = arith.constant 0 : i32
    %dma_wait3A_38 = arith.constant 0 : i32
    %dma_wait3A_39 = tpu.memref_slice %arg4[%dma_wait3A_37, %dma_wait3A_38] : memref<100000x128xf32, #tpu.memory_space<hbm>> -> memref<200x128xf32, #tpu.memory_space<hbm>>
    %dma_wait3A_40 = arith.constant 0 : i32
    %dma_wait3A_41 = arith.constant 0 : i32
    %dma_wait3A_42 = tpu.memref_slice %arg7[%dma_wait3A, %dma_wait3A_40, %dma_wait3A_41] : memref<4x200x128xf32, #tpu.memory_space<vmem>> -> memref<1x200x128xf32, #tpu.memory_space<vmem>>
    %dma_wait3A_43 = tpu.memref_squeeze %dma_wait3A_42 : memref<1x200x128xf32, #tpu.memory_space<vmem>> -> memref<200x128xf32, #tpu.memory_space<vmem>>
    tpu.wait_dma2 semaphore(%dma_wait3A_36 : memref<!tpu.dma_semaphore, #tpu.memory_space<semaphore_mem>>) src(%dma_wait3A_43 : memref<200x128xf32, #tpu.memory_space<vmem>>) dst(%dma_wait3A_39 : memref<200x128xf32, #tpu.memory_space<hbm>>)
    %dma_wait3A_44 = arith.constant 1 : i32
    %dma_wait3A_45 = arith.constant 1 : i32
    %dma_wait3A_46 = arith.constant 0 : i32
    %dma_wait3A_47 = arith.constant 0 : i32
    %dma_wait3A_48 = tpu.memref_slice %arg7[%dma_wait3A_44, %dma_wait3A_46, %dma_wait3A_47] : memref<4x200x128xf32, #tpu.memory_space<vmem>> -> memref<1x200x128xf32, #tpu.memory_space<vmem>>
    %dma_wait3A_49 = tpu.memref_squeeze %dma_wait3A_48 : memref<1x200x128xf32, #tpu.memory_space<vmem>> -> memref<200x128xf32, #tpu.memory_space<vmem>>
    %dma_wait3A_50 = arith.constant 0 : i32
    %dma_wait3A_51 = arith.constant 0 : i32
    %dma_wait3A_52 = tpu.memref_slice %arg4[%dma_wait3A_50, %dma_wait3A_51] : memref<100000x128xf32, #tpu.memory_space<hbm>> -> memref<200x128xf32, #tpu.memory_space<hbm>>
    %dma_wait3A_53 = tpu.memref_slice %arg9[%dma_wait3A_45] : memref<4x!tpu.dma_semaphore, #tpu.memory_space<semaphore_mem>> -> memref<1x!tpu.dma_semaphore, #tpu.memory_space<semaphore_mem>>
    %dma_wait3A_54 = tpu.memref_squeeze %dma_wait3A_53 : memref<1x!tpu.dma_semaphore, #tpu.memory_space<semaphore_mem>> -> memref<!tpu.dma_semaphore, #tpu.memory_space<semaphore_mem>>
    %dma_wait3A_55 = arith.constant 0 : i32
    %dma_wait3A_56 = arith.constant 0 : i32
    %dma_wait3A_57 = tpu.memref_slice %arg4[%dma_wait3A_55, %dma_wait3A_56] : memref<100000x128xf32, #tpu.memory_space<hbm>> -> memref<200x128xf32, #tpu.memory_space<hbm>>
    %dma_wait3A_58 = arith.constant 0 : i32
    %dma_wait3A_59 = arith.constant 0 : i32
    %dma_wait3A_60 = tpu.memref_slice %arg7[%dma_wait3A_44, %dma_wait3A_58, %dma_wait3A_59] : memref<4x200x128xf32, #tpu.memory_space<vmem>> -> memref<1x200x128xf32, #tpu.memory_space<vmem>>
    %dma_wait3A_61 = tpu.memref_squeeze %dma_wait3A_60 : memref<1x200x128xf32, #tpu.memory_space<vmem>> -> memref<200x128xf32, #tpu.memory_space<vmem>>
    tpu.wait_dma2 semaphore(%dma_wait3A_54 : memref<!tpu.dma_semaphore, #tpu.memory_space<semaphore_mem>>) src(%dma_wait3A_61 : memref<200x128xf32, #tpu.memory_space<vmem>>) dst(%dma_wait3A_57 : memref<200x128xf32, #tpu.memory_space<hbm>>)
    %dma_wait3A_62 = arith.constant 2 : i32
    %dma_wait3A_63 = arith.constant 2 : i32
    %dma_wait3A_64 = arith.constant 0 : i32
    %dma_wait3A_65 = arith.constant 0 : i32
    %dma_wait3A_66 = tpu.memref_slice %arg7[%dma_wait3A_62, %dma_wait3A_64, %dma_wait3A_65] : memref<4x200x128xf32, #tpu.memory_space<vmem>> -> memref<1x200x128xf32, #tpu.memory_space<vmem>>
    %dma_wait3A_67 = tpu.memref_squeeze %dma_wait3A_66 : memref<1x200x128xf32, #tpu.memory_space<vmem>> -> memref<200x128xf32, #tpu.memory_space<vmem>>
    %dma_wait3A_68 = arith.constant 0 : i32
    %dma_wait3A_69 = arith.constant 0 : i32
    %dma_wait3A_70 = tpu.memref_slice %arg4[%dma_wait3A_68, %dma_wait3A_69] : memref<100000x128xf32, #tpu.memory_space<hbm>> -> memref<200x128xf32, #tpu.memory_space<hbm>>
    %dma_wait3A_71 = tpu.memref_slice %arg9[%dma_wait3A_63] : memref<4x!tpu.dma_semaphore, #tpu.memory_space<semaphore_mem>> -> memref<1x!tpu.dma_semaphore, #tpu.memory_space<semaphore_mem>>
    %dma_wait3A_72 = tpu.memref_squeeze %dma_wait3A_71 : memref<1x!tpu.dma_semaphore, #tpu.memory_space<semaphore_mem>> -> memref<!tpu.dma_semaphore, #tpu.memory_space<semaphore_mem>>
    %dma_wait3A_73 = arith.constant 0 : i32
    %dma_wait3A_74 = arith.constant 0 : i32
    %dma_wait3A_75 = tpu.memref_slice %arg4[%dma_wait3A_73, %dma_wait3A_74] : memref<100000x128xf32, #tpu.memory_space<hbm>> -> memref<200x128xf32, #tpu.memory_space<hbm>>
    %dma_wait3A_76 = arith.constant 0 : i32
    %dma_wait3A_77 = arith.constant 0 : i32
    %dma_wait3A_78 = tpu.memref_slice %arg7[%dma_wait3A_62, %dma_wait3A_76, %dma_wait3A_77] : memref<4x200x128xf32, #tpu.memory_space<vmem>> -> memref<1x200x128xf32, #tpu.memory_space<vmem>>
    %dma_wait3A_79 = tpu.memref_squeeze %dma_wait3A_78 : memref<1x200x128xf32, #tpu.memory_space<vmem>> -> memref<200x128xf32, #tpu.memory_space<vmem>>
    tpu.wait_dma2 semaphore(%dma_wait3A_72 : memref<!tpu.dma_semaphore, #tpu.memory_space<semaphore_mem>>) src(%dma_wait3A_79 : memref<200x128xf32, #tpu.memory_space<vmem>>) dst(%dma_wait3A_75 : memref<200x128xf32, #tpu.memory_space<hbm>>)
    %dma_wait3A_80 = arith.constant 3 : i32
    %dma_wait3A_81 = arith.constant 3 : i32
    %dma_wait3A_82 = arith.constant 0 : i32
    %dma_wait3A_83 = arith.constant 0 : i32
    %dma_wait3A_84 = tpu.memref_slice %arg7[%dma_wait3A_80, %dma_wait3A_82, %dma_wait3A_83] : memref<4x200x128xf32, #tpu.memory_space<vmem>> -> memref<1x200x128xf32, #tpu.memory_space<vmem>>
    %dma_wait3A_85 = tpu.memref_squeeze %dma_wait3A_84 : memref<1x200x128xf32, #tpu.memory_space<vmem>> -> memref<200x128xf32, #tpu.memory_space<vmem>>
    %dma_wait3A_86 = arith.constant 0 : i32
    %dma_wait3A_87 = arith.constant 0 : i32
    %dma_wait3A_88 = tpu.memref_slice %arg4[%dma_wait3A_86, %dma_wait3A_87] : memref<100000x128xf32, #tpu.memory_space<hbm>> -> memref<200x128xf32, #tpu.memory_space<hbm>>
    %dma_wait3A_89 = tpu.memref_slice %arg9[%dma_wait3A_81] : memref<4x!tpu.dma_semaphore, #tpu.memory_space<semaphore_mem>> -> memref<1x!tpu.dma_semaphore, #tpu.memory_space<semaphore_mem>>
    %dma_wait3A_90 = tpu.memref_squeeze %dma_wait3A_89 : memref<1x!tpu.dma_semaphore, #tpu.memory_space<semaphore_mem>> -> memref<!tpu.dma_semaphore, #tpu.memory_space<semaphore_mem>>
    %dma_wait3A_91 = arith.constant 0 : i32
    %dma_wait3A_92 = arith.constant 0 : i32
    %dma_wait3A_93 = tpu.memref_slice %arg4[%dma_wait3A_91, %dma_wait3A_92] : memref<100000x128xf32, #tpu.memory_space<hbm>> -> memref<200x128xf32, #tpu.memory_space<hbm>>
    %dma_wait3A_94 = arith.constant 0 : i32
    %dma_wait3A_95 = arith.constant 0 : i32
    %dma_wait3A_96 = tpu.memref_slice %arg7[%dma_wait3A_80, %dma_wait3A_94, %dma_wait3A_95] : memref<4x200x128xf32, #tpu.memory_space<vmem>> -> memref<1x200x128xf32, #tpu.memory_space<vmem>>
    %dma_wait3A_97 = tpu.memref_squeeze %dma_wait3A_96 : memref<1x200x128xf32, #tpu.memory_space<vmem>> -> memref<200x128xf32, #tpu.memory_space<vmem>>
    tpu.wait_dma2 semaphore(%dma_wait3A_90 : memref<!tpu.dma_semaphore, #tpu.memory_space<semaphore_mem>>) src(%dma_wait3A_97 : memref<200x128xf32, #tpu.memory_space<vmem>>) dst(%dma_wait3A_93 : memref<200x128xf32, #tpu.memory_space<hbm>>)
    return
  }
}

</mosaic_0001>

<sc_bundles>
// kernel: kernel.3.cloned.1.call-start
scs
__scs_entry_jumppad:
0x0: {  	(pc) =	sbr.rel $0x88, $3  }
0x1: {  	(tag) =	ssettag $0x0;
	lr =	simm.s32 $0x1  }
0x2: {  	[smem:$0x3F9F] =	sst lr;
	_ =	strace $0xD0000000  }
0x3: {  	_ = 	snop  }
0x4: {  	_ = 	snop  }
0x5: {  	_ = 	snop  }
0x6: {  	_ = 	snop  }
0x7: {  	_ = 	snop  }
__scs_overlays_trampoline_lowered:
0x8: {  	[smem:$0x3FAE] =	sst s0  }
0x9: {  	[smem:$0x3FAF] =	sst s1  }
0xa: {  	[smem:$0x3FB0] =	sst s2  }
0xb: {  	[smem:$0x3FB1] =	sst s3  }
0xc: {  	[smem:$0x3FB2] =	sst s4  }
0xd: {  	[smem:$0x3FB3] =	sst s5  }
0xe: {  	[smem:$0x3FB4] =	sst s6  }
0xf: {  	[smem:$0x3FB5] =	sst s7  }
0x10: {  	[smem:$0x3FB6] =	sst s8  }
0x11: {  	[smem:$0x3FB7] =	sst s9;
	s0 =	simm.s32 @!p0 $0x0  }
0x12: {  	s1 =	sld [smem:$0x3F9D];
	s0 =	simm.s32 @p0 $0x1  }
0x13: {  	[smem:$0x3FB8] =	sst s0;
	s0 =	simm.s32 @!p1 $0x0  }
0x14: {  	s2 =	sld [smem:$0x3F9C];
	s0 =	simm.s32 @p1 $0x1  }
0x15: {  	[smem:$0x3FB9] =	sst s0;
	s0 =	simm.s32 @!p2 $0x0  }
0x16: {  	s3 =	sld [smem:$0x3FDB];
	s0 =	simm.s32 @p2 $0x1  }
0x17: {  	s4 =	simm.s32 $0x1BF5;
	[smem:$0x3FBB] =	sst s0  }
0x18: {  	s0 =	sld [smem:$0x3F9E];
	_ =	swait.ge [sflag:s4], $0x0  }
0x19: {  	s7 =	sld [smem:$0x3F9F]  }
0x1a: {  	s8 =	sadd.s32 $0xFFFFE003, lr  }
0x1b: {  	s9 =	sadd.s32 $0xFFFFFEF7, lr;
	s5 =	simm.s32 $0xFFFFFFFF;
	p2 =	slt.u32 s8, $0xFFFFF086  }
0x1c: {  	p1 =	slt.u32 s9, $0xF7A;
	s5 =	simm.s32 @!p2 $0x0  }
0x1d: {  	s5 =	simm.s32 @p1 $0x1;
	p0 =	seq.s32 s7, s2  }
0x1e: {  	s7 =	smul.u32 @!p0 $0xF7A, s2;
	p2 =	seq.s32 @!p0 s5, $0x0  }
0x1f: {  	s9 =	smul.u32 $0xF7A, s1;
	s8 =	simm.s32 @!p0 $0x1BF5;
	p2 =	por !p2, p0  }
0x20: {  	[sflag:s8] =	ssyncset.s32 @!p0 $0xFFFFF086;
	s6 =	sadd.s32 @!p0 s3, s7;
	s7 =	simm.s32 @!p0 $0x108  }
0x21: {  	s3 =	sadd.s32 s3, s9;
	s6 =	sadd.s32 @!p0 $0x88, s6;
	s7 =	simm.s32 @p2 $0x1082  }
0x22: {  	[simem:s7], [sflag:s8] =	dma.local @!p0 [hbm:s6], $0xF7A  }
0x23: {  	s9 =	sor.u32 $0xD0000000, s2;
	s6 =	simm.s32 $0x108;
	_ =	swait.ge @!p0 [sflag:s8], $0x0  }
0x24: {  	s3 =	sadd.s32 $0x88, s3;
	s6 =	simm.s32 @!p1 $0x1082;
	[sflag:s4] =	ssyncset.s32 $0xFFFFF086  }
0x25: {  	[simem:s6], [sflag:s4] =	dma.local [hbm:s3], $0xF7A  }
0x26: {  	[smem:$0x3F9F] =	sst s1;
	(tag) =	ssettag s2;
	_ =	strace s9  }
0x27: {  	s1 =	sld [smem:$0x3FAF]  }
0x28: {  	s2 =	sld [smem:$0x3FB0]  }
0x29: {  	s4 =	sld [smem:$0x3FB2]  }
0x2a: {  	p0 =	seq.s32 s5, $0x0;
	s5 =	sld [smem:$0x3FB3]  }
0x2b: {  	s6 =	sld [smem:$0x3FB4]  }
0x2c: {  	s7 =	sld [smem:$0x3FB5]  }
0x2d: {  	s3 =	simm.s32 $0x108;
	s8 =	sld [smem:$0x3FB6]  }
0x2e: {  	s3 =	simm.s32 @!p0 $0x1082;
	s9 =	sld [smem:$0x3FB7]  }
0x2f: {  	lr =	sadd.s32 s0, s3;
	s0 =	sld [smem:$0x3FAE]  }
0x30: {  	s3 =	sld [smem:$0x3FB1]  }
0x31: {  	[smem:$0x3FBA] =	sst s10  }
0x32: {  	s10 =	sld [smem:$0x3FB8];
	_ =	sdelay $0x3  }
0x33: {  	p0 =	seq.s32 s10, $0x1;
	s10 =	sld [smem:$0x3FBA];
	_ =	sdelay $0x3  }
0x34: {  	[smem:$0x3FBA] =	sst s10  }
0x35: {  	s10 =	sld [smem:$0x3FB9];
	_ =	sdelay $0x3  }
0x36: {  	p1 =	seq.s32 s10, $0x1;
	s10 =	sld [smem:$0x3FBA];
	_ =	sdelay $0x3  }
0x37: {  	[smem:$0x3FBA] =	sst s10  }
0x38: {  	s10 =	sld [smem:$0x3FBB]  }
0x39: {  	_ = 	snop;
	(pc) =	sbr.ind lr, $3  }
0x3a: {  	_ = 	snop  }
0x3b: {  	_ = 	snop  }
0x3c: {  	p2 =	seq.s32 s10, $0x1;
	s10 =	sld [smem:$0x3FBA]  }
0x3d: {  	_ =	shalt  }
0x3e: {  	_ =	shalt  }
0x3f: {  	_ =	shalt  }
0x40: {  	_ =	shalt  }
0x41: {  	_ =	shalt  }
0x42: {  	_ =	shalt  }
0x43: {  	_ =	shalt  }
0x44: {  	_ =	shalt  }
0x45: {  	_ =	shalt  }
0x46: {  	_ =	shalt  }
0x47: {  	_ =	shalt  }
0x48: {  	_ =	shalt  }
0x49: {  	_ =	shalt  }
0x4a: {  	_ =	shalt  }
0x4b: {  	_ =	shalt  }
0x4c: {  	_ =	shalt  }
0x4d: {  	_ =	shalt  }
0x4e: {  	_ =	shalt  }
0x4f: {  	_ =	shalt  }
0x50: {  	_ =	shalt  }
0x51: {  	_ =	shalt  }
0x52: {  	_ =	shalt  }
0x53: {  	_ =	shalt  }
0x54: {  	_ =	shalt  }
0x55: {  	_ =	shalt  }
0x56: {  	_ =	shalt  }
0x57: {  	_ =	shalt  }
0x58: {  	_ =	shalt  }
0x59: {  	_ =	shalt  }
0x5a: {  	_ =	shalt  }
0x5b: {  	_ =	shalt  }
0x5c: {  	_ =	shalt  }
0x5d: {  	_ =	shalt  }
0x5e: {  	_ =	shalt  }
0x5f: {  	_ =	shalt  }
0x60: {  	_ =	shalt  }
0x61: {  	_ =	shalt  }
0x62: {  	_ =	shalt  }
0x63: {  	_ =	shalt  }
0x64: {  	_ =	shalt  }
0x65: {  	_ =	shalt  }
0x66: {  	_ =	shalt  }
0x67: {  	_ =	shalt  }
0x68: {  	_ =	shalt  }
0x69: {  	_ =	shalt  }
0x6a: {  	_ =	shalt  }
0x6b: {  	_ =	shalt  }
0x6c: {  	_ =	shalt  }
0x6d: {  	_ =	shalt  }
0x6e: {  	_ =	shalt  }
0x6f: {  	_ =	shalt  }
0x70: {  	_ =	shalt  }
0x71: {  	_ =	shalt  }
0x72: {  	_ =	shalt  }
0x73: {  	_ =	shalt  }
0x74: {  	_ =	shalt  }
0x75: {  	_ =	shalt  }
0x76: {  	_ =	shalt  }
0x77: {  	_ =	shalt  }
0x78: {  	_ =	shalt  }
0x79: {  	_ =	shalt  }
0x7a: {  	_ =	shalt  }
0x7b: {  	_ =	shalt  }
0x7c: {  	_ =	shalt  }
0x7d: {  	_ =	shalt  }
0x7e: {  	_ =	shalt  }
0x7f: {  	_ =	shalt  }
0x80: {  	_ =	shalt  }
0x81: {  	_ =	shalt  }
0x82: {  	_ =	shalt  }
0x83: {  	_ =	shalt  }
0x84: {  	_ =	shalt  }
0x85: {  	_ =	shalt  }
0x86: {  	_ =	shalt  }
0x87: {  	_ =	shalt  }
.Lfunc_end0:
.L_simem_size_0:
called_computation_lowered:
.L_overlay_start_0:
0x88: {  	s2 =	sld [smem:$0x3FD9]  }
0x89: {  	s3 =	sld [smem:$0x3FFE];
	_ =	sdelay $0x1  }
0x8a: {  	s1 =	srdreg.scid  }
0x8b: {  	s0 =	sand.u32 $0x1, s1  }
0x8c: {  	s18 =	sshll.u32 s0, $0xA;
	s2 =	sadd.s32 s3, s2  }
0x8d: {  	s2 =	sadd.s32 s2, s18  }
0x8e: {  	[smem:$0x3FC6] =	sst s2  }
0x8f: {  	_ = 	snop  }
0x90: {  	s2 =	sld [smem:$0x3FC9]  }
0x91: {  	s19 =	sld [smem:$0x3FC8]  }
0x92: {  	s4 =	sld [smem:$0x3FD0];
	(tm) =	ssettm $0x1  }
0x93: {  	s5 =	sld [smem:$0x3FFB];
	_ =	sdelay $0x3  }
0x94: {  	_ =	strace s5  }
0x95: {  	s5 =	sld [smem:$0x3FFC];
	_ =	sdelay $0x3  }
0x96: {  	_ =	strace s5  }
0x97: {  	s5 =	sld [smem:$0x3FFD];
	_ =	sdelay $0x3  }
0x98: {  	_ =	strace s5  }
0x99: {  	_ =	strace $0x8FFFFFFF  }
0x9a: {  	s20 =	sld [smem:$0x3FDB];
	_ =	sdelay $0x1  }
0x9b: {  	s6 =	simm.s32 $_scs_section_size  }
0x9c: {  	s7 =	simm.s32 $_size__tile_overlayer_lowered;
	s8 =	simm.s32 $_tile_overlayer_lowered  }
0x9d: {  	s23 =	simm.s32 $0x1BFF;
	s22 =	sshll.u32 s8, $0x1;
	s5 =	sadd.s32 s6, s20  }
0x9e: {  	s9 =	simm.s32 $0x0;
	s21 =	sshll.u32 s7, $0x1;
	s7 =	sadd.s32 s22, s5  }
0x9f: {  	[timem:s9], [sflag:s23] =	dma.local [hbm:s7], s21  }
0xa0: {  	_ =	swait.ge [sflag:s23], s21  }
0xa1: {  	s6 =	ssub.s32 $0x0, s21;
	[sflag:s23] =	ssyncset.done $0x0  }
0xa2: {  	[sflag:s23] =	ssyncadd.s32 s6;
	_ =	sdelay $0x1  }
0xa3: {  	s24 =	simm.s32 $0x1B8B  }
0xa4: {  	_ =	swait.ge [sflag:s24], $0x1  }
0xa5: {  	[sflag:s24] =	ssyncset.done $0x0  }
0xa6: {  	s25 =	simm.s32 $0x1B8E;
	[sflag:s24] =	ssyncadd.s32 $0xFFFFFFFF  }
0xa7: {  	s26 =	simm.s32 $execute0_lowered;
	[smem:$0x3FD2] =	sst s25  }
0xa8: {  	s6 =	sshll.u32 s26, $0x1;
	_ =	strace $0x80000046;
	[dreg:$0x1] =	wrdreg $0xFFFFFFFF  }
0xa9: {  	s28 =	simm.s32 $_size_execute0_lowered;
	s5 =	sadd.s32 s5, s6;
	[dreg:$0x0] =	wrdreg $0x0  }
0xaa: {  	s6 =	sshll.u32 s28, $0x1;
	[dreg:$0x2] =	wrdreg s5  }
0xab: {  	[dreg:$0x3] =	wrdreg s6  }
0xac: {  	[dreg:$0x4] =	wrdreg $0xC0  }
0xad: {  	_ =	task [dreg:s9], $0x5FFFF  }
0xae: {  	[dreg:$0x1] =	wrdreg $0xFFFFFFFF  }
0xaf: {  	[dreg:$0x0] =	wrdreg $0x60  }
0xb0: {  	[dreg:$0x2] =	wrdreg s2  }
0xb1: {  	[dreg:$0x3] =	wrdreg s19  }
0xb2: {  	[dreg:$0x4] =	wrdreg s4  }
0xb3: {  	[dreg:$0x5] =	wrdreg $0x0  }
0xb4: {  	[dreg:$0x6] =	wrdreg $0x9  }
0xb5: {  	_ =	task.clear_ibuf [dreg:s9], $0x7FFFF;
	_ =	strace $0x90000046  }
0xb6: {  	s29 =	simm.s32 $0x9;
	_ =	strace $0x80000048  }
0xb7: {  	_ =	swait.ge [sflag:s29], $0x1  }
0xb8: {  	[sflag:s29] =	ssyncadd.s32 $0xFFFFFFFF  }
0xb9: {  	_ =	strace $0x90000048  }
0xba: {  	_ =	sfence  }
0xbb: {  	s30 =	sld [smem:$0x0];
	_ =	sdelay $0x2  }
0xbc: {  	s31 =	sshll.u32 s1, $0xD;
	s1 =	sshrl.u32 s1, $0x2  }
0xbd: {  	s3 =	sand.u32 $0x4000, s31;
	s1 =	sadd.s32 s1, s30  }
0xbe: {  	s0 =	sor.u32 s3, s0;
	s1 =	sshll.u32 s1, $0x11  }
0xbf: {  	s0 =	sor.u32 s1, s0  }
0xc0: {  	s0 =	sadd.s32 $0x8F2B, s0  }
0xc1: {  	[sflag:s0] =	ssyncadd.remote.s32 $0x1  }
0xc2: {  	_ =	sfence.sel $0xFFFF  }
0xc3: {  	[dreg:$0x0] =	wrdreg $0xFFFFFFFF;
	(pc) =	sbr.abs _section_cstart, $3  }
0xc4: {  	[dreg:$0x1] =	wrdreg $0xFFFFFFFF  }
0xc5: {  	_ =	task.clear_ibuf [dreg:s9], $0x2FFFF;
	_ =	strace $0x9FFFFFFF  }
0xc6: {  	(tm) =	ssettm $0x7FFFFFFF  }
0xc7: {  	_ =	shalt  }
tec
execute0_lowered:
.L_overlay_start_1:
0x0: {  	(tag) =	ssettag $0x1  }
0x1: {  	s0 =	srdreg.scid;
	s5 =	rddreg [dreg:$0x1]  }
0x2: {  	s1 =	stileid.u32;
	s9 =	rddreg [dreg:$0x2]  }
0x3: {  	s14 =	simm.s32 $0x800;
	s15 =	simm.s32 $0x6;
	s16 =	simm.s32 $0xC8  }
0x4: {  	s17 =	simm.s32 $0x1480;
	s18 =	simm.s32 $0x1;
	s20 =	simm.s32 $0x7880  }
0x5: {  	s28 =	simm.s32 $0x4;
	s29 =	simm.s32 $0x5;
	s30 =	simm.s32 $0x0  }
0x6: {  	s0 =	sand.u32 $0x1, s0;
	s2 =	sshll.u32 s1, $0x1;
	p0 =	slt.u32 s1, $0xA  }
0x7: {  	s24 =	smul.u32 $0x17700, s1;
	p1 =	sgt.u32 s1, $0x9;
	s3 =	sor.u32 s0, s2  }
0x8: {  	s2 =	rddreg [dreg:$0x3];
	s6 =	ssub.s32 $0x2, s0;
	s4 =	smul.u32 $0xF, s3  }
0x9: {  	s0 =	smul.u32 $0xBB80, s0;
	s8 =	smin.u32 s3, $0x14;
	s3 =	simm.s32 $0x0  }
0xa: {  	s21 =	sshrl.u32 s6, $0x1;
	s31 =	smul.u32 $0xC80, s8;
	s7 =	sadd.s32 s8, s4  }
0xb: {  	[smem:$0x7FF] =	sst s3;
	s11 =	ssub.s32 s6, s21;
	s10 =	smul.u32 $0x19, s7  }
0xc: {  	_ =	strace $0x80000047;
	s4 =	simm.s32 $0x10;
	s22 =	smul.u32 $0xC8, s7  }
0xd: {  	s25 =	smax.u32 s11, $0x1;
	s12 =	smul.u32 $0xC80, s7;
	s4 =	simm.s32 @!p0 $0xF  }
0xe: {  	s13 =	smul.u32 $0x6400, s7;
	[dreg:$0x7] =	wrdreg s25;
	p0 =	sne.s32 s1, $0x0  }
0xf: {  	s25 =	simm.s32 $0x2;
	s6 =	sadd.s32 $0xBB8, s22;
	s23 =	sadd.s32 s5, s10  }
0x10: {  	s26 =	sshrl.u32 s13, $0x3;
	s10 =	sadd.s32 s24, s9;
	s8 =	sadd.s32 s9, s12  }
0x11: {  	s13 =	sshrl.u32 @!p0 s2, $0x3;
	s22 =	simm.s32 $0xDC80;
	s6 =	sshrl.u32 s6, $0x3  }
0x12: {  	s24 =	simm.s32 $0x14080;
	[dreg:$0x5] =	wrdreg s23;
	s5 =	sadd.s32 s5, s6  }
0x13: {  	s0 =	sadd.s32 s0, s10;
	[dreg:$0x6] =	wrdreg s5;
	s5 =	sadd.s32 s9, s26  }
0x14: {  	s0 =	sadd.s32 s31, s0;
	s26 =	simm.s32 $0x3;
	s9 =	sadd.s32 $0xC80, s5  }
0x15: {  	s10 =	sadd.s32 $0x1900, s5;
	s11 =	sadd.s32 $0x2580, s5;
	s5 =	sadd.s32 $0x3200, s0  }
.LBB2_1:
0x16: {  	s0 =	simm.s32 @!p0 $0x1C06;
	s1 =	rddreg [dreg:$0x0]  }
0x17: {  	[spmem:s13], [sflag:s0] =	dma.local @!p0 [hbm:s1], $0x1000  }
0x18: {  	s0 =	simm.s32 @!p0 $0x6  }
0x19: {  	_ =	swait.ge @!p0 [sflag:s0], $0x1000  }
0x1a: {  	[sflag:s0] =	ssyncset.done @!p0 $0x0  }
0x1b: {  	s12 =	rddreg [dreg:$0x5];
	[sflag:s0] =	ssyncadd.s32 @!p0 $0xFFFFF000  }
0x1c: {  	[tilespmem:s14], [sflag:$0x6] =	stream.linear.gather [hbm4b:s12+s3], $0xBB8, $0x38;
	[tilespmem:$0x1A480] =	vst v63  }
0x1d: {  	_ =	swait.ge [sflag:s15], $0xBB8  }
0x1e: {  	s1 =	simm.s32 @!p1 $0x13B8;
	[sflag:s15] =	ssyncset.done $0x0  }
0x1f: {  	s0 =	simm.s32 @!p1 $0x0;
	s6 =	rddreg [dreg:$0x6];
	[sflag:s15] =	ssyncadd.s32 $0xFFFFF448  }
0x20: {  	[tilespmem:s1], [sflag:$0x6] =	stream.linear.gather @!p1 [hbm4b:s6+s0], $0xC8, $0x38;
	[tilespmem:$0x1A480] =	vst v63  }
0x21: {  	s0 =	simm.s32 @!p1 $0x6  }
0x22: {  	_ =	swait.ge @!p1 [sflag:s0], $0xC8  }
0x23: {  	[sflag:s0] =	ssyncset.done @!p1 $0x0  }
0x24: {  	[sflag:s0] =	ssyncadd.s32 @!p1 $0xFFFFFF38  }
0x25: {  	[bflag:$0x0] =	sbarrier.arrive $0xFFFF  }
0x26: {  	[tilespmem:s17], [sflag:$0x1] =	stream.indirect.gather [spmem:s2], $0x80, s14, s16, $0xb8;
	[tilespmem:$0x1A480] =	vst v63  }
0x27: {  	_ =	swait.ge [sflag:s18], $0x6400  }
0x28: {  	[sflag:s18] =	ssyncset.done $0x0  }
0x29: {  	[sflag:s18] =	ssyncadd.s32 $0xFFFF9C00  }
0x2a: {  	[hbm4b:s8+s3] =	stream.linear.scatter [tilespmem:s17], [sflag:$0x2], $0x6400, $0x38;
	[tilespmem:$0x1A480] =	vst v63  }
0x2b: {  	s19 =	simm.s32 $0x8C8  }
0x2c: {  	[tilespmem:s20], [sflag:$0x1] =	stream.indirect.gather [spmem:s2], $0x80, s19, s16, $0xb8;
	[tilespmem:$0x1A480] =	vst v63  }
0x2d: {  	_ =	swait.ge [sflag:s18], $0x6400  }
0x2e: {  	[sflag:s18] =	ssyncset.done $0x0  }
0x2f: {  	[sflag:s18] =	ssyncadd.s32 $0xFFFF9C00  }
0x30: {  	[hbm4b:s9+s3] =	stream.linear.scatter [tilespmem:s20], [sflag:$0x3], $0x6400, $0x38;
	[tilespmem:$0x1A480] =	vst v63  }
0x31: {  	s21 =	simm.s32 $0x990  }
0x32: {  	[tilespmem:s22], [sflag:$0x1] =	stream.indirect.gather [spmem:s2], $0x80, s21, s16, $0xb8;
	[tilespmem:$0x1A480] =	vst v63  }
0x33: {  	_ =	swait.ge [sflag:s18], $0x6400  }
0x34: {  	[sflag:s18] =	ssyncset.done $0x0  }
0x35: {  	[sflag:s18] =	ssyncadd.s32 $0xFFFF9C00  }
0x36: {  	[hbm4b:s10+s3] =	stream.linear.scatter [tilespmem:s22], [sflag:$0x4], $0x6400, $0x38;
	[tilespmem:$0x1A480] =	vst v63  }
0x37: {  	s23 =	simm.s32 $0xA58;
	p3 =	sne.s32 s4, $0x5  }
0x38: {  	[tilespmem:s24], [sflag:$0x1] =	stream.indirect.gather [spmem:s2], $0x80, s23, s16, $0xb8;
	[tilespmem:$0x1A480] =	vst v63  }
.Ltmp0:
0x39: {  	_ = 	snop;
	(pc) =	sbr.rel @!p3 .LBB2_2-.Ltmp0, $4  }
0x3a: {  	_ =	swait.ge [sflag:s18], $0x6400  }
0x3b: {  	s31 =	simm.s32 $0xB20;
	p2 =	por $0x0, $0x0;
	[sflag:s18] =	ssyncset.done $0x0  }
0x3c: {  	s1 =	simm.s32 $0x5;
	s23 =	sand.u32 $0x3, s28;
	[sflag:s18] =	ssyncadd.s32 $0xFFFF9C00  }
0x3d: {  	[hbm4b:s11+s3] =	stream.linear.scatter [tilespmem:s24], [sflag:$0x5], $0x6400, $0x38;
	[tilespmem:$0x1A480] =	vst v63  }
0x3e: {  	s0 =	sadd.s32 $0x2, s23;
	s12 =	smul.u32 $0x19000, s23  }
0x3f: {  	s21 =	simm.s32 $0x6;
	p3 =	sne.s32 s4, $0x6;
	_ =	swait.ge [sflag:s0], $0x6400  }
.Ltmp1:
0x40: {  	s12 =	sshrl.u32 s12, $0x2;
	[sflag:s0] =	ssyncset.done $0x0;
	(pc) =	sbr.rel @!p3 .LBB2_4-.Ltmp1, $4  }
0x41: {  	s23 =	sand.u32 $0x3, s1;
	s19 =	sadd.s32 $0x1480, s12;
	[sflag:s0] =	ssyncadd.s32 $0xFFFF9C00  }
0x42: {  	[tilespmem:s19], [sflag:$0x1] =	stream.indirect.gather [spmem:s2], $0x80, s31, s16, $0xb8;
	[tilespmem:$0x1A480] =	vst v63  }
0x43: {  	p2 =	por $0x1, $0x1;
	s1 =	smov.u32 s5;
	_ =	swait.ge [sflag:s18], $0x6400  }
0x44: {  	s12 =	sadd.s32 $0xC80, s5;
	s31 =	simm.s32 $0xBE8;
	[sflag:s18] =	ssyncset.done $0x0  }
.LBB2_5:
0x45: {  	s6 =	sadd.s32 $0x2, s23;
	s23 =	smul.u32 $0x19000, s23  }
0x46: {  	[sflag:s18] =	ssyncadd.s32 $0xFFFF9C00;
	s7 =	smov.u32 s21;
	s21 =	sadd.s32 $0x1, s21  }
0x47: {  	[hbm4b:s1+s3] =	stream.linear.scatter [tilespmem:s19], [sflag:s0], $0x6400, $0x38;
	[tilespmem:$0x1A480] =	vst v63  }
0x48: {  	p3 =	sne.s32 s4, s21;
	_ =	swait.ge [sflag:s6], $0x6400;
	s0 =	sshrl.u32 s23, $0x2  }
.Ltmp2:
0x49: {  	[sflag:s6] =	ssyncset.done $0x0;
	s19 =	sadd.s32 $0x1480, s0;
	(pc) =	sbr.rel @p3 .LBB2_5-.Ltmp2, $4  }
0x4a: {  	s0 =	smov.u32 s6;
	[sflag:s6] =	ssyncadd.s32 $0xFFFF9C00  }
0x4b: {  	[tilespmem:s19], [sflag:$0x1] =	stream.indirect.gather [spmem:s2], $0x80, s31, s16, $0xb8;
	[tilespmem:$0x1A480] =	vst v63  }
0x4c: {  	s1 =	smov.u32 s12;
	s31 =	sadd.s32 $0xC8, s31;
	_ =	swait.ge [sflag:s18], $0x6400  }
0x4d: {  	s12 =	sadd.s32 $0xC80, s12;
	s23 =	sand.u32 $0x3, s7;
	[sflag:s18] =	ssyncset.done $0x0  }
.LBB2_6:
0x4e: {  	s6 =	sadd.s32 $0x2, s23;
	s7 =	smul.u32 $0x19000, s23;
	[sflag:s18] =	ssyncadd.s32 @p2 $0xFFFF9C00  }
0x4f: {  	[hbm4b:s1+s3] =	stream.linear.scatter @p2 [tilespmem:s19], [sflag:s0], $0x6400, $0x38;
	[tilespmem:$0x1A480] =	vst v63  }
0x50: {  	_ =	swait.ge [sflag:s6], $0x6400  }
0x51: {  	s23 =	sshrl.u32 s7, $0x2;
	[sflag:s6] =	ssyncset.done $0x0  }
0x52: {  	s0 =	sadd.s32 $0x1480, s23;
	[sflag:s6] =	ssyncadd.s32 $0xFFFF9C00  }
0x53: {  	[tilespmem:s0], [sflag:$0x1] =	stream.indirect.gather [spmem:s2], $0x80, s31, s16, $0xb8;
	[tilespmem:$0x1A480] =	vst v63  }
0x54: {  	_ =	swait.ge [sflag:s18], $0x6400  }
0x55: {  	[sflag:s18] =	ssyncset.done $0x0  }
0x56: {  	[sflag:s18] =	ssyncadd.s32 $0xFFFF9C00  }
0x57: {  	[hbm4b:s12+s3] =	stream.linear.scatter [tilespmem:s0], [sflag:s6], $0x6400, $0x38;
	[tilespmem:$0x1A480] =	vst v63  }
0x58: {  	_ =	swait.ge [sflag:s25], $0x6400  }
0x59: {  	[sflag:s25] =	ssyncset.done $0x0  }
0x5a: {  	[sflag:s25] =	ssyncadd.s32 $0xFFFF9C00  }
0x5b: {  	_ =	swait.ge [sflag:s26], $0x6400  }
0x5c: {  	[sflag:s26] =	ssyncset.done $0x0  }
0x5d: {  	[sflag:s26] =	ssyncadd.s32 $0xFFFF9C00  }
0x5e: {  	_ =	swait.ge [sflag:s28], $0x6400  }
0x5f: {  	[sflag:s28] =	ssyncset.done $0x0  }
0x60: {  	[sflag:s28] =	ssyncadd.s32 $0xFFFF9C00  }
0x61: {  	_ =	swait.ge [sflag:s29], $0x6400  }
0x62: {  	s30 =	sadd.s32 $0x1, s30;
	s31 =	rddreg [dreg:$0x7]  }
0x63: {  	p2 =	sne.s32 s30, s31  }
.Ltmp3:
0x64: {  	_ = 	snop;
	(pc) =	sbr.rel @p2 .LBB2_1-.Ltmp3, $4  }
.Ltmp4:
0x65: {  	_ = 	snop;
	(pc) =	sbr.rel @!p2 .LBB2_7-.Ltmp4, $4  }
0x66: {  	_ = 	snop  }
0x67: {  	[sflag:s29] =	ssyncset.done $0x0  }
0x68: {  	[sflag:s29] =	ssyncadd.s32 $0xFFFF9C00  }
0x69: {  	_ = 	snop  }
.LBB2_2:
.Ltmp5:
0x6a: {  	(pc) =	sbr.rel .LBB2_6-.Ltmp5, $2  }
0x6b: {  	_ =	sdelay $0x2  }
0x6c: {  	s12 =	smov.u32 s5  }
.LBB2_4:
.Ltmp6:
0x6d: {  	(pc) =	sbr.rel .LBB2_6-.Ltmp6, $2  }
0x6e: {  	_ =	sdelay $0x2  }
0x6f: {  	s1 =	smov.u32 s5  }
.LBB2_7:
0x70: {  	_ =	sfence.sel $0x180000  }
0x71: {  	[bflag:$0x0] =	sbarrier.arrive $0xFFFF  }
0x72: {  	_ =	strace $0x90000047  }
0x73: {  	[bflag:$0x2] =	sbarrier.arrive $0xFFFF  }
0x74: {  	s0 =	rddreg [dreg:$0x4]  }
0x75: {  	s0 =	sadd.s32 @!p0 $0x100000, s0  }
0x76: {  	[sflag:s0] =	ssyncadd.tile.s32 @!p0 $0x1;
	_ =	shalt  }
.Lfunc_end2:
_tile_overlayer_lowered:
.L_overlay_start_2:
0x77: {  	(tag) =	ssettag $0x2  }
0x78: {  	s0 =	rddreg [dreg:$0x0];
	s2 =	stileid.u32  }
0x79: {  	s1 =	rddreg [dreg:$0x1];
	p0 =	sne.s32 s2, $0x0  }
0x7a: {  	s3 =	rddreg [dreg:$0x2];
	[bflag:$0x3] =	sbarrier.arrive $0xFFFF;
	s2 =	simm.s32 @!p0 $0x1C06  }
0x7b: {  	[timem:s3], [sflag:s2] =	dma.local @!p0 [hbm:s0], s1  }
0x7c: {  	s0 =	simm.s32 @!p0 $0x6  }
0x7d: {  	_ =	swait.ge @!p0 [sflag:s0], s1  }
0x7e: {  	s1 =	ssub.s32 @!p0 $0x0, s1;
	[sflag:s0] =	ssyncset.done @!p0 $0x0  }
0x7f: {  	[sflag:s0] =	ssyncadd.s32 @!p0 s1  }
0x80: {  	[bflag:$0x3] =	sbarrier.arrive $0xFFFF  }
0x81: {  	_ =	shalt  }

</sc_bundles>
